<compile_context>
chip_gen: v7x
topology: tpu7x:2x2x1
jax: 0.10.2.dev20260603
libtpu: 0.0.44.dev20260713+nightly
codegen_flags: <defaults>
</compile_context>

<pallas_src>
import functools

import jax
import jax.numpy as jnp
from jax import lax
from jax.experimental import pallas as pl
from jax.experimental.pallas import tpu as pltpu
from jax.experimental.pallas import tpu_sc as plsc

B = 16384
S = 50
D = 64
DP = 128
NC = 2
NS = 16
NW = NC * NS
RPW = B // NW
GSZ = 128
NG = RPW // GSZ
EPS = 0.001
L = 16
BB = 512


def _gather_body(cid_hbm, mean_hbm, std_hbm, mr_hbm,
                 idx0, idx1, idx2, idx3, mrows, srows, sem_g, sem_o):
    wid = lax.axis_index("s") * NC + lax.axis_index("c")
    base = wid * RPW
    idxs = [idx0, idx1, idx2, idx3]

    for g in range(NG):
        pltpu.sync_copy(cid_hbm.at[pl.ds(base + g * GSZ, GSZ)], idxs[g])
    gathers = []
    for g in range(NG):
        dst_m = mrows.at[pl.ds(g * GSZ, GSZ)]
        dst_s = srows.at[pl.ds(g * GSZ, GSZ)]
        gathers.append(pltpu.async_copy(mean_hbm.at[idxs[g]], dst_m, sem_g))
        gathers.append(pltpu.async_copy(std_hbm.at[idxs[g]], dst_s, sem_g))
    for cp in gathers:
        cp.wait()

    out_m = pltpu.async_copy(
        mrows, mr_hbm.at[pl.ds(base, RPW), pl.ds(0, D)], sem_o)

    @plsc.parallel_loop(0, RPW)
    def rinv_body(i):
        for j in range(D // L):
            v = srows[i, pl.ds(j * L, L)]
            srows[i, pl.ds(j * L, L)] = 1.0 / (jnp.exp(v) + EPS)

    out_r = pltpu.async_copy(
        srows, mr_hbm.at[pl.ds(base, RPW), pl.ds(D, D)], sem_o)
    out_m.wait()
    out_r.wait()


def _sc_gather(cid, initial_mean, initial_std):
    mesh = plsc.VectorSubcoreMesh(core_axis_name="c", subcore_axis_name="s")
    run = functools.partial(
        pl.kernel,
        out_type=jax.ShapeDtypeStruct((B, DP), jnp.float32),
        mesh=mesh,
        compiler_params=pltpu.CompilerParams(use_tc_tiling_on_sc=False),
        scratch_types=[
            pltpu.VMEM((GSZ,), jnp.int32),
            pltpu.VMEM((GSZ,), jnp.int32),
            pltpu.VMEM((GSZ,), jnp.int32),
            pltpu.VMEM((GSZ,), jnp.int32),
            pltpu.VMEM((RPW, D), jnp.float32),
            pltpu.VMEM((RPW, D), jnp.float32),
            pltpu.SemaphoreType.DMA,
            pltpu.SemaphoreType.DMA,
        ],
    )(_gather_body)
    return run(cid, initial_mean, initial_std)


def _norm_body(x_ref, mr_ref, o_ref):
    mr = mr_ref[...]
    m = mr[:, :D].T[None, :, :]
    r = mr[:, D:].T[None, :, :]
    o_ref[...] = (x_ref[...] - m) * r


def _tc_normalize(xt, mr):
    return pl.pallas_call(
        _norm_body,
        out_shape=jax.ShapeDtypeStruct((S, D, B), jnp.float32),
        grid=(B // BB,),
        in_specs=[
            pl.BlockSpec((S, D, BB), lambda i: (0, 0, i)),
            pl.BlockSpec((BB, DP), lambda i: (i, 0)),
        ],
        out_specs=pl.BlockSpec((S, D, BB), lambda i: (0, 0, i)),
    )(xt, mr)


@jax.jit
def kernel(x, cluster_id, initial_mean, initial_std):
    cid = cluster_id.reshape(B)
    mr = _sc_gather(cid, initial_mean, initial_std)
    xt = jnp.transpose(x, (1, 2, 0))
    out_t = _tc_normalize(xt, mr)
    return jnp.transpose(out_t, (2, 0, 1))

# --- scband reference (transcript-rebuilt; emitter-appended) ---
"""Pipeline reference for scband-scbnorm-60954175864867 (READ-ONLY COPY).

The authoritative reference and input builder live on the scoring server;
editing this copy changes nothing except your own understanding.
"""

import jax, jax.numpy as jnp
import numpy as np

NUM_CLUSTERS = 1000
INPUT_DIM = 64
EPSILON = 0.001


def setup_inputs(seed: int = 0) -> dict:
    key = jax.random.key(seed)
    k1, k2, k3, k4 = jax.random.split(key, 4)
    x = jax.random.normal(k1, (16384, 50, 64), dtype=jnp.float32)
    cluster_id = jax.random.randint(k2, (16384, 1), 0, NUM_CLUSTERS, dtype=jnp.int32)
    # glorot_uniform init for (num_clusters, input_dim)
    limit = np.sqrt(6.0 / (NUM_CLUSTERS + INPUT_DIM))
    initial_mean = jax.random.uniform(k3, (NUM_CLUSTERS, INPUT_DIM), dtype=jnp.float32, minval=-limit, maxval=limit)
    initial_std = jax.random.uniform(k4, (NUM_CLUSTERS, INPUT_DIM), dtype=jnp.float32, minval=-limit, maxval=limit)
    return {"x": x, "cluster_id": cluster_id, "initial_mean": initial_mean, "initial_std": initial_std}


def reference(x, cluster_id, initial_mean, initial_std):
    indices = cluster_id[:, 0]
    mean = jnp.take(initial_mean, indices, axis=0)          # [B, D]
    std = jnp.exp(jnp.take(initial_std, indices, axis=0))   # [B, D]
    # num_expand_dims = len(x.shape) - 2 = 1
    mean = mean[:, None, :]
    std = std[:, None, :]
    normalized_x = (x - mean) / (std + EPSILON)
    return normalized_x

if __name__ == "__main__":
    import jax
    _d = setup_inputs()
    print(jax.jit(kernel)(*tuple(_d.values())))

</pallas_src>

<mosaic_0001>
#map = affine_map<(d0, d1) -> (0)>
#map1 = affine_map<(d0, d1) -> (0, 0)>
module attributes {stable_mosaic.version = 14 : i64} {
  func.func @_gather_body(%arg0: i32, %arg1: i32, %arg2: memref<16384xi32, #tpu.memory_space<hbm>>, %arg3: memref<1000x64xf32, #tpu.memory_space<hbm>>, %arg4: memref<1000x64xf32, #tpu.memory_space<hbm>>, %arg5: memref<16384x128xf32, #tpu.memory_space<hbm>>, %arg6: memref<128xi32, #tpu.memory_space<vmem>>, %arg7: memref<128xi32, #tpu.memory_space<vmem>>, %arg8: memref<128xi32, #tpu.memory_space<vmem>>, %arg9: memref<128xi32, #tpu.memory_space<vmem>>, %arg10: memref<512x64xf32, #tpu.memory_space<vmem>>, %arg11: memref<512x64xf32, #tpu.memory_space<vmem>>, %arg12: memref<!tpu.dma_semaphore, #tpu.memory_space<semaphore_mem>>, %arg13: memref<!tpu.dma_semaphore, #tpu.memory_space<semaphore_mem>>) attributes {dimension_semantics = [#tpu.dimension_semantics<core_parallel>, #tpu.dimension_semantics<subcore_parallel>], iteration_bounds = array<i64: 2, 16>, scalar_prefetch = 0 : i64, scratch_operands = 8 : i64, tpu.core_type = #tpu.core_type<sc_vector_subcore>, window_params = [{transform_indices = #map}, {transform_indices = #map1}, {transform_indices = #map1}, {transform_indices = #map1}]} {
    %mul3A = arith.constant 2 : i32
    %mul3A_0 = arith.muli %arg1, %mul3A : i32
    %add3A = arith.addi %mul3A_0, %arg0 : i32
    %mul3A_1 = arith.constant 512 : i32
    %mul3A_2 = arith.muli %add3A, %mul3A_1 : i32
    %add3A_3 = arith.constant 0 : i32
    %add3A_4 = arith.addi %mul3A_2, %add3A_3 : i32
    "tpu.region"() ({
      %run_scoped3A = tpu.sem_alloc : memref<!tpu.dma_semaphore, #tpu.memory_space<semaphore_mem>>
      %dma_start3A_123 = tpu.memref_slice %arg2[%add3A_4] : memref<16384xi32, #tpu.memory_space<hbm>> -> memref<128xi32, #tpu.memory_space<hbm>>
      %dma_start3A_124 = tpu.memref_slice %arg2[%add3A_4] : memref<16384xi32, #tpu.memory_space<hbm>> -> memref<128xi32, #tpu.memory_space<hbm>>
      tpu.enqueue_dma source(%dma_start3A_124 : memref<128xi32, #tpu.memory_space<hbm>>) target(%arg6 : memref<128xi32, #tpu.memory_space<vmem>>) target_semaphore(%run_scoped3A : memref<!tpu.dma_semaphore, #tpu.memory_space<semaphore_mem>>)
      %dma_wait3A_125 = tpu.memref_slice %arg2[%add3A_4] : memref<16384xi32, #tpu.memory_space<hbm>> -> memref<128xi32, #tpu.memory_space<hbm>>
      %dma_wait3A_126 = tpu.memref_slice %arg2[%add3A_4] : memref<16384xi32, #tpu.memory_space<hbm>> -> memref<128xi32, #tpu.memory_space<hbm>>
      tpu.wait_dma2 semaphore(%run_scoped3A : memref<!tpu.dma_semaphore, #tpu.memory_space<semaphore_mem>>) src(%dma_wait3A_126 : memref<128xi32, #tpu.memory_space<hbm>>) dst(%arg6 : memref<128xi32, #tpu.memory_space<vmem>>)
      tpu.yield
    }) : () -> ()
    %add3A_5 = arith.constant 128 : i32
    %add3A_6 = arith.addi %mul3A_2, %add3A_5 : i32
    "tpu.region"() ({
      %run_scoped3A = tpu.sem_alloc : memref<!tpu.dma_semaphore, #tpu.memory_space<semaphore_mem>>
      %dma_start3A_123 = tpu.memref_slice %arg2[%add3A_6] : memref<16384xi32, #tpu.memory_space<hbm>> -> memref<128xi32, #tpu.memory_space<hbm>>
      %dma_start3A_124 = tpu.memref_slice %arg2[%add3A_6] : memref<16384xi32, #tpu.memory_space<hbm>> -> memref<128xi32, #tpu.memory_space<hbm>>
      tpu.enqueue_dma source(%dma_start3A_124 : memref<128xi32, #tpu.memory_space<hbm>>) target(%arg7 : memref<128xi32, #tpu.memory_space<vmem>>) target_semaphore(%run_scoped3A : memref<!tpu.dma_semaphore, #tpu.memory_space<semaphore_mem>>)
      %dma_wait3A_125 = tpu.memref_slice %arg2[%add3A_6] : memref<16384xi32, #tpu.memory_space<hbm>> -> memref<128xi32, #tpu.memory_space<hbm>>
      %dma_wait3A_126 = tpu.memref_slice %arg2[%add3A_6] : memref<16384xi32, #tpu.memory_space<hbm>> -> memref<128xi32, #tpu.memory_space<hbm>>
      tpu.wait_dma2 semaphore(%run_scoped3A : memref<!tpu.dma_semaphore, #tpu.memory_space<semaphore_mem>>) src(%dma_wait3A_126 : memref<128xi32, #tpu.memory_space<hbm>>) dst(%arg7 : memref<128xi32, #tpu.memory_space<vmem>>)
      tpu.yield
    }) : () -> ()
    %add3A_7 = arith.constant 256 : i32
    %add3A_8 = arith.addi %mul3A_2, %add3A_7 : i32
    "tpu.region"() ({
      %run_scoped3A = tpu.sem_alloc : memref<!tpu.dma_semaphore, #tpu.memory_space<semaphore_mem>>
      %dma_start3A_123 = tpu.memref_slice %arg2[%add3A_8] : memref<16384xi32, #tpu.memory_space<hbm>> -> memref<128xi32, #tpu.memory_space<hbm>>
      %dma_start3A_124 = tpu.memref_slice %arg2[%add3A_8] : memref<16384xi32, #tpu.memory_space<hbm>> -> memref<128xi32, #tpu.memory_space<hbm>>
      tpu.enqueue_dma source(%dma_start3A_124 : memref<128xi32, #tpu.memory_space<hbm>>) target(%arg8 : memref<128xi32, #tpu.memory_space<vmem>>) target_semaphore(%run_scoped3A : memref<!tpu.dma_semaphore, #tpu.memory_space<semaphore_mem>>)
      %dma_wait3A_125 = tpu.memref_slice %arg2[%add3A_8] : memref<16384xi32, #tpu.memory_space<hbm>> -> memref<128xi32, #tpu.memory_space<hbm>>
      %dma_wait3A_126 = tpu.memref_slice %arg2[%add3A_8] : memref<16384xi32, #tpu.memory_space<hbm>> -> memref<128xi32, #tpu.memory_space<hbm>>
      tpu.wait_dma2 semaphore(%run_scoped3A : memref<!tpu.dma_semaphore, #tpu.memory_space<semaphore_mem>>) src(%dma_wait3A_126 : memref<128xi32, #tpu.memory_space<hbm>>) dst(%arg8 : memref<128xi32, #tpu.memory_space<vmem>>)
      tpu.yield
    }) : () -> ()
    %add3A_9 = arith.constant 384 : i32
    %add3A_10 = arith.addi %mul3A_2, %add3A_9 : i32
    "tpu.region"() ({
      %run_scoped3A = tpu.sem_alloc : memref<!tpu.dma_semaphore, #tpu.memory_space<semaphore_mem>>
      %dma_start3A_123 = tpu.memref_slice %arg2[%add3A_10] : memref<16384xi32, #tpu.memory_space<hbm>> -> memref<128xi32, #tpu.memory_space<hbm>>
      %dma_start3A_124 = tpu.memref_slice %arg2[%add3A_10] : memref<16384xi32, #tpu.memory_space<hbm>> -> memref<128xi32, #tpu.memory_space<hbm>>
      tpu.enqueue_dma source(%dma_start3A_124 : memref<128xi32, #tpu.memory_space<hbm>>) target(%arg9 : memref<128xi32, #tpu.memory_space<vmem>>) target_semaphore(%run_scoped3A : memref<!tpu.dma_semaphore, #tpu.memory_space<semaphore_mem>>)
      %dma_wait3A_125 = tpu.memref_slice %arg2[%add3A_10] : memref<16384xi32, #tpu.memory_space<hbm>> -> memref<128xi32, #tpu.memory_space<hbm>>
      %dma_wait3A_126 = tpu.memref_slice %arg2[%add3A_10] : memref<16384xi32, #tpu.memory_space<hbm>> -> memref<128xi32, #tpu.memory_space<hbm>>
      tpu.wait_dma2 semaphore(%run_scoped3A : memref<!tpu.dma_semaphore, #tpu.memory_space<semaphore_mem>>) src(%dma_wait3A_126 : memref<128xi32, #tpu.memory_space<hbm>>) dst(%arg9 : memref<128xi32, #tpu.memory_space<vmem>>)
      tpu.yield
    }) : () -> ()
    %dma_start3A = arith.constant 0 : i32
    %dma_start3A_11 = arith.constant 0 : i32
    %dma_start3A_12 = tpu.memref_slice %arg10[%dma_start3A, %dma_start3A_11] : memref<512x64xf32, #tpu.memory_space<vmem>> -> memref<128x64xf32, #tpu.memory_space<vmem>>
    %dma_start3A_13 = arith.constant 0 : i32
    %dma_start3A_14 = arith.constant 0 : i32
    %dma_start3A_15 = tpu.memref_slice %arg3[%dma_start3A_13, %dma_start3A_14] : memref<1000x64xf32, #tpu.memory_space<hbm>> -> memref<1000x64xf32, #tpu.memory_space<hbm>>
    tpu.enqueue_indirect_dma source(%dma_start3A_15 : memref<1000x64xf32, #tpu.memory_space<hbm>>) target(%dma_start3A_12 : memref<128x64xf32, #tpu.memory_space<vmem>>) offsets(%arg6 : memref<128xi32, #tpu.memory_space<vmem>>) semaphore(%arg12 : memref<!tpu.dma_semaphore, #tpu.memory_space<semaphore_mem>>)
    %dma_start3A_16 = arith.constant 0 : i32
    %dma_start3A_17 = arith.constant 0 : i32
    %dma_start3A_18 = tpu.memref_slice %arg11[%dma_start3A_16, %dma_start3A_17] : memref<512x64xf32, #tpu.memory_space<vmem>> -> memref<128x64xf32, #tpu.memory_space<vmem>>
    %dma_start3A_19 = arith.constant 0 : i32
    %dma_start3A_20 = arith.constant 0 : i32
    %dma_start3A_21 = tpu.memref_slice %arg4[%dma_start3A_19, %dma_start3A_20] : memref<1000x64xf32, #tpu.memory_space<hbm>> -> memref<1000x64xf32, #tpu.memory_space<hbm>>
    tpu.enqueue_indirect_dma source(%dma_start3A_21 : memref<1000x64xf32, #tpu.memory_space<hbm>>) target(%dma_start3A_18 : memref<128x64xf32, #tpu.memory_space<vmem>>) offsets(%arg6 : memref<128xi32, #tpu.memory_space<vmem>>) semaphore(%arg12 : memref<!tpu.dma_semaphore, #tpu.memory_space<semaphore_mem>>)
    %dma_start3A_22 = arith.constant 128 : i32
    %dma_start3A_23 = arith.constant 0 : i32
    %dma_start3A_24 = tpu.memref_slice %arg10[%dma_start3A_22, %dma_start3A_23] : memref<512x64xf32, #tpu.memory_space<vmem>> -> memref<128x64xf32, #tpu.memory_space<vmem>>
    %dma_start3A_25 = arith.constant 0 : i32
    %dma_start3A_26 = arith.constant 0 : i32
    %dma_start3A_27 = tpu.memref_slice %arg3[%dma_start3A_25, %dma_start3A_26] : memref<1000x64xf32, #tpu.memory_space<hbm>> -> memref<1000x64xf32, #tpu.memory_space<hbm>>
    tpu.enqueue_indirect_dma source(%dma_start3A_27 : memref<1000x64xf32, #tpu.memory_space<hbm>>) target(%dma_start3A_24 : memref<128x64xf32, #tpu.memory_space<vmem>>) offsets(%arg7 : memref<128xi32, #tpu.memory_space<vmem>>) semaphore(%arg12 : memref<!tpu.dma_semaphore, #tpu.memory_space<semaphore_mem>>)
    %dma_start3A_28 = arith.constant 128 : i32
    %dma_start3A_29 = arith.constant 0 : i32
    %dma_start3A_30 = tpu.memref_slice %arg11[%dma_start3A_28, %dma_start3A_29] : memref<512x64xf32, #tpu.memory_space<vmem>> -> memref<128x64xf32, #tpu.memory_space<vmem>>
    %dma_start3A_31 = arith.constant 0 : i32
    %dma_start3A_32 = arith.constant 0 : i32
    %dma_start3A_33 = tpu.memref_slice %arg4[%dma_start3A_31, %dma_start3A_32] : memref<1000x64xf32, #tpu.memory_space<hbm>> -> memref<1000x64xf32, #tpu.memory_space<hbm>>
    tpu.enqueue_indirect_dma source(%dma_start3A_33 : memref<1000x64xf32, #tpu.memory_space<hbm>>) target(%dma_start3A_30 : memref<128x64xf32, #tpu.memory_space<vmem>>) offsets(%arg7 : memref<128xi32, #tpu.memory_space<vmem>>) semaphore(%arg12 : memref<!tpu.dma_semaphore, #tpu.memory_space<semaphore_mem>>)
    %dma_start3A_34 = arith.constant 256 : i32
    %dma_start3A_35 = arith.constant 0 : i32
    %dma_start3A_36 = tpu.memref_slice %arg10[%dma_start3A_34, %dma_start3A_35] : memref<512x64xf32, #tpu.memory_space<vmem>> -> memref<128x64xf32, #tpu.memory_space<vmem>>
    %dma_start3A_37 = arith.constant 0 : i32
    %dma_start3A_38 = arith.constant 0 : i32
    %dma_start3A_39 = tpu.memref_slice %arg3[%dma_start3A_37, %dma_start3A_38] : memref<1000x64xf32, #tpu.memory_space<hbm>> -> memref<1000x64xf32, #tpu.memory_space<hbm>>
    tpu.enqueue_indirect_dma source(%dma_start3A_39 : memref<1000x64xf32, #tpu.memory_space<hbm>>) target(%dma_start3A_36 : memref<128x64xf32, #tpu.memory_space<vmem>>) offsets(%arg8 : memref<128xi32, #tpu.memory_space<vmem>>) semaphore(%arg12 : memref<!tpu.dma_semaphore, #tpu.memory_space<semaphore_mem>>)
    %dma_start3A_40 = arith.constant 256 : i32
    %dma_start3A_41 = arith.constant 0 : i32
    %dma_start3A_42 = tpu.memref_slice %arg11[%dma_start3A_40, %dma_start3A_41] : memref<512x64xf32, #tpu.memory_space<vmem>> -> memref<128x64xf32, #tpu.memory_space<vmem>>
    %dma_start3A_43 = arith.constant 0 : i32
    %dma_start3A_44 = arith.constant 0 : i32
    %dma_start3A_45 = tpu.memref_slice %arg4[%dma_start3A_43, %dma_start3A_44] : memref<1000x64xf32, #tpu.memory_space<hbm>> -> memref<1000x64xf32, #tpu.memory_space<hbm>>
    tpu.enqueue_indirect_dma source(%dma_start3A_45 : memref<1000x64xf32, #tpu.memory_space<hbm>>) target(%dma_start3A_42 : memref<128x64xf32, #tpu.memory_space<vmem>>) offsets(%arg8 : memref<128xi32, #tpu.memory_space<vmem>>) semaphore(%arg12 : memref<!tpu.dma_semaphore, #tpu.memory_space<semaphore_mem>>)
    %dma_start3A_46 = arith.constant 384 : i32
    %dma_start3A_47 = arith.constant 0 : i32
    %dma_start3A_48 = tpu.memref_slice %arg10[%dma_start3A_46, %dma_start3A_47] : memref<512x64xf32, #tpu.memory_space<vmem>> -> memref<128x64xf32, #tpu.memory_space<vmem>>
    %dma_start3A_49 = arith.constant 0 : i32
    %dma_start3A_50 = arith.constant 0 : i32
    %dma_start3A_51 = tpu.memref_slice %arg3[%dma_start3A_49, %dma_start3A_50] : memref<1000x64xf32, #tpu.memory_space<hbm>> -> memref<1000x64xf32, #tpu.memory_space<hbm>>
    tpu.enqueue_indirect_dma source(%dma_start3A_51 : memref<1000x64xf32, #tpu.memory_space<hbm>>) target(%dma_start3A_48 : memref<128x64xf32, #tpu.memory_space<vmem>>) offsets(%arg9 : memref<128xi32, #tpu.memory_space<vmem>>) semaphore(%arg12 : memref<!tpu.dma_semaphore, #tpu.memory_space<semaphore_mem>>)
    %dma_start3A_52 = arith.constant 384 : i32
    %dma_start3A_53 = arith.constant 0 : i32
    %dma_start3A_54 = tpu.memref_slice %arg11[%dma_start3A_52, %dma_start3A_53] : memref<512x64xf32, #tpu.memory_space<vmem>> -> memref<128x64xf32, #tpu.memory_space<vmem>>
    %dma_start3A_55 = arith.constant 0 : i32
    %dma_start3A_56 = arith.constant 0 : i32
    %dma_start3A_57 = tpu.memref_slice %arg4[%dma_start3A_55, %dma_start3A_56] : memref<1000x64xf32, #tpu.memory_space<hbm>> -> memref<1000x64xf32, #tpu.memory_space<hbm>>
    tpu.enqueue_indirect_dma source(%dma_start3A_57 : memref<1000x64xf32, #tpu.memory_space<hbm>>) target(%dma_start3A_54 : memref<128x64xf32, #tpu.memory_space<vmem>>) offsets(%arg9 : memref<128xi32, #tpu.memory_space<vmem>>) semaphore(%arg12 : memref<!tpu.dma_semaphore, #tpu.memory_space<semaphore_mem>>)
    %dma_wait3A = arith.constant 0 : i32
    %dma_wait3A_58 = arith.constant 0 : i32
    %dma_wait3A_59 = tpu.memref_slice %arg10[%dma_wait3A, %dma_wait3A_58] : memref<512x64xf32, #tpu.memory_space<vmem>> -> memref<128x64xf32, #tpu.memory_space<vmem>>
    %dma_wait3A_60 = arith.constant 0 : i32
    %dma_wait3A_61 = arith.constant 0 : i32
    %dma_wait3A_62 = tpu.memref_slice %arg3[%dma_wait3A_60, %dma_wait3A_61] : memref<1000x64xf32, #tpu.memory_space<hbm>> -> memref<1000x64xf32, #tpu.memory_space<hbm>>
    tpu.wait_indirect_dma semaphore(%arg12 : memref<!tpu.dma_semaphore, #tpu.memory_space<semaphore_mem>>) src(%dma_wait3A_62 : memref<1000x64xf32, #tpu.memory_space<hbm>>) dst(%dma_wait3A_59 : memref<128x64xf32, #tpu.memory_space<vmem>>)
    %dma_wait3A_63 = arith.constant 0 : i32
    %dma_wait3A_64 = arith.constant 0 : i32
    %dma_wait3A_65 = tpu.memref_slice %arg11[%dma_wait3A_63, %dma_wait3A_64] : memref<512x64xf32, #tpu.memory_space<vmem>> -> memref<128x64xf32, #tpu.memory_space<vmem>>
    %dma_wait3A_66 = arith.constant 0 : i32
    %dma_wait3A_67 = arith.constant 0 : i32
    %dma_wait3A_68 = tpu.memref_slice %arg4[%dma_wait3A_66, %dma_wait3A_67] : memref<1000x64xf32, #tpu.memory_space<hbm>> -> memref<1000x64xf32, #tpu.memory_space<hbm>>
    tpu.wait_indirect_dma semaphore(%arg12 : memref<!tpu.dma_semaphore, #tpu.memory_space<semaphore_mem>>) src(%dma_wait3A_68 : memref<1000x64xf32, #tpu.memory_space<hbm>>) dst(%dma_wait3A_65 : memref<128x64xf32, #tpu.memory_space<vmem>>)
    %dma_wait3A_69 = arith.constant 128 : i32
    %dma_wait3A_70 = arith.constant 0 : i32
    %dma_wait3A_71 = tpu.memref_slice %arg10[%dma_wait3A_69, %dma_wait3A_70] : memref<512x64xf32, #tpu.memory_space<vmem>> -> memref<128x64xf32, #tpu.memory_space<vmem>>
    %dma_wait3A_72 = arith.constant 0 : i32
    %dma_wait3A_73 = arith.constant 0 : i32
    %dma_wait3A_74 = tpu.memref_slice %arg3[%dma_wait3A_72, %dma_wait3A_73] : memref<1000x64xf32, #tpu.memory_space<hbm>> -> memref<1000x64xf32, #tpu.memory_space<hbm>>
    tpu.wait_indirect_dma semaphore(%arg12 : memref<!tpu.dma_semaphore, #tpu.memory_space<semaphore_mem>>) src(%dma_wait3A_74 : memref<1000x64xf32, #tpu.memory_space<hbm>>) dst(%dma_wait3A_71 : memref<128x64xf32, #tpu.memory_space<vmem>>)
    %dma_wait3A_75 = arith.constant 128 : i32
    %dma_wait3A_76 = arith.constant 0 : i32
    %dma_wait3A_77 = tpu.memref_slice %arg11[%dma_wait3A_75, %dma_wait3A_76] : memref<512x64xf32, #tpu.memory_space<vmem>> -> memref<128x64xf32, #tpu.memory_space<vmem>>
    %dma_wait3A_78 = arith.constant 0 : i32
    %dma_wait3A_79 = arith.constant 0 : i32
    %dma_wait3A_80 = tpu.memref_slice %arg4[%dma_wait3A_78, %dma_wait3A_79] : memref<1000x64xf32, #tpu.memory_space<hbm>> -> memref<1000x64xf32, #tpu.memory_space<hbm>>
    tpu.wait_indirect_dma semaphore(%arg12 : memref<!tpu.dma_semaphore, #tpu.memory_space<semaphore_mem>>) src(%dma_wait3A_80 : memref<1000x64xf32, #tpu.memory_space<hbm>>) dst(%dma_wait3A_77 : memref<128x64xf32, #tpu.memory_space<vmem>>)
    %dma_wait3A_81 = arith.constant 256 : i32
    %dma_wait3A_82 = arith.constant 0 : i32
    %dma_wait3A_83 = tpu.memref_slice %arg10[%dma_wait3A_81, %dma_wait3A_82] : memref<512x64xf32, #tpu.memory_space<vmem>> -> memref<128x64xf32, #tpu.memory_space<vmem>>
    %dma_wait3A_84 = arith.constant 0 : i32
    %dma_wait3A_85 = arith.constant 0 : i32
    %dma_wait3A_86 = tpu.memref_slice %arg3[%dma_wait3A_84, %dma_wait3A_85] : memref<1000x64xf32, #tpu.memory_space<hbm>> -> memref<1000x64xf32, #tpu.memory_space<hbm>>
    tpu.wait_indirect_dma semaphore(%arg12 : memref<!tpu.dma_semaphore, #tpu.memory_space<semaphore_mem>>) src(%dma_wait3A_86 : memref<1000x64xf32, #tpu.memory_space<hbm>>) dst(%dma_wait3A_83 : memref<128x64xf32, #tpu.memory_space<vmem>>)
    %dma_wait3A_87 = arith.constant 256 : i32
    %dma_wait3A_88 = arith.constant 0 : i32
    %dma_wait3A_89 = tpu.memref_slice %arg11[%dma_wait3A_87, %dma_wait3A_88] : memref<512x64xf32, #tpu.memory_space<vmem>> -> memref<128x64xf32, #tpu.memory_space<vmem>>
    %dma_wait3A_90 = arith.constant 0 : i32
    %dma_wait3A_91 = arith.constant 0 : i32
    %dma_wait3A_92 = tpu.memref_slice %arg4[%dma_wait3A_90, %dma_wait3A_91] : memref<1000x64xf32, #tpu.memory_space<hbm>> -> memref<1000x64xf32, #tpu.memory_space<hbm>>
    tpu.wait_indirect_dma semaphore(%arg12 : memref<!tpu.dma_semaphore, #tpu.memory_space<semaphore_mem>>) src(%dma_wait3A_92 : memref<1000x64xf32, #tpu.memory_space<hbm>>) dst(%dma_wait3A_89 : memref<128x64xf32, #tpu.memory_space<vmem>>)
    %dma_wait3A_93 = arith.constant 384 : i32
    %dma_wait3A_94 = arith.constant 0 : i32
    %dma_wait3A_95 = tpu.memref_slice %arg10[%dma_wait3A_93, %dma_wait3A_94] : memref<512x64xf32, #tpu.memory_space<vmem>> -> memref<128x64xf32, #tpu.memory_space<vmem>>
    %dma_wait3A_96 = arith.constant 0 : i32
    %dma_wait3A_97 = arith.constant 0 : i32
    %dma_wait3A_98 = tpu.memref_slice %arg3[%dma_wait3A_96, %dma_wait3A_97] : memref<1000x64xf32, #tpu.memory_space<hbm>> -> memref<1000x64xf32, #tpu.memory_space<hbm>>
    tpu.wait_indirect_dma semaphore(%arg12 : memref<!tpu.dma_semaphore, #tpu.memory_space<semaphore_mem>>) src(%dma_wait3A_98 : memref<1000x64xf32, #tpu.memory_space<hbm>>) dst(%dma_wait3A_95 : memref<128x64xf32, #tpu.memory_space<vmem>>)
    %dma_wait3A_99 = arith.constant 384 : i32
    %dma_wait3A_100 = arith.constant 0 : i32
    %dma_wait3A_101 = tpu.memref_slice %arg11[%dma_wait3A_99, %dma_wait3A_100] : memref<512x64xf32, #tpu.memory_space<vmem>> -> memref<128x64xf32, #tpu.memory_space<vmem>>
    %dma_wait3A_102 = arith.constant 0 : i32
    %dma_wait3A_103 = arith.constant 0 : i32
    %dma_wait3A_104 = tpu.memref_slice %arg4[%dma_wait3A_102, %dma_wait3A_103] : memref<1000x64xf32, #tpu.memory_space<hbm>> -> memref<1000x64xf32, #tpu.memory_space<hbm>>
    tpu.wait_indirect_dma semaphore(%arg12 : memref<!tpu.dma_semaphore, #tpu.memory_space<semaphore_mem>>) src(%dma_wait3A_104 : memref<1000x64xf32, #tpu.memory_space<hbm>>) dst(%dma_wait3A_101 : memref<128x64xf32, #tpu.memory_space<vmem>>)
    %dma_start3A_105 = arith.constant 0 : i32
    %dma_start3A_106 = tpu.memref_slice %arg5[%mul3A_2, %dma_start3A_105] : memref<16384x128xf32, #tpu.memory_space<hbm>> -> memref<512x64xf32, #tpu.memory_space<hbm>>
    %dma_start3A_107 = arith.constant 0 : i32
    %dma_start3A_108 = tpu.memref_slice %arg5[%mul3A_2, %dma_start3A_107] : memref<16384x128xf32, #tpu.memory_space<hbm>> -> memref<512x64xf32, #tpu.memory_space<hbm>>
    tpu.enqueue_dma source(%arg10 : memref<512x64xf32, #tpu.memory_space<vmem>>) target(%dma_start3A_108 : memref<512x64xf32, #tpu.memory_space<hbm>>) target_semaphore(%arg13 : memref<!tpu.dma_semaphore, #tpu.memory_space<semaphore_mem>>)
    %parallel_loop3A = arith.constant 0 : i32
    %parallel_loop3A_109 = arith.constant 512 : i32
    %parallel_loop3A_110 = arith.constant 1 : i32
    scf.for %parallel_loop3A_123 = %parallel_loop3A to %parallel_loop3A_109 step %parallel_loop3A_110  : i32 {
      %parallel_loop3A_124 = arith.index_cast %parallel_loop3A_123 : i32 to index
      %parallel_loop3A_125 = arith.constant 0 : index
      %parallel_loop3A_126 = tpu.vector_load %arg11[%parallel_loop3A_124, %parallel_loop3A_125] {strides = array<i32>} : memref<512x64xf32, #tpu.memory_space<vmem>>, vector<1x16xf32>,
      %parallel_loop3A_127 = vector.shape_cast %parallel_loop3A_126 : vector<1x16xf32> to vector<16xf32>
      %parallel_loop3A_128 = math.exp %parallel_loop3A_127 : vector<16xf32>
      %parallel_loop3A_129 = arith.constant 1.000000e-03 : f32
      %parallel_loop3A_130 = vector.broadcast %parallel_loop3A_129 : f32 to vector<16xf32>
      %parallel_loop3A_131 = arith.addf %parallel_loop3A_128, %parallel_loop3A_130 : vector<16xf32>
      %parallel_loop3A_132 = arith.constant 1.000000e+00 : f32
      %parallel_loop3A_133 = vector.broadcast %parallel_loop3A_132 : f32 to vector<16xf32>
      %parallel_loop3A_134 = arith.divf %parallel_loop3A_133, %parallel_loop3A_131 : vector<16xf32>
      %parallel_loop3A_135 = arith.index_cast %parallel_loop3A_123 : i32 to index
      %parallel_loop3A_136 = arith.constant 0 : index
      %parallel_loop3A_137 = tpu.vector_load %arg11[%parallel_loop3A_135, %parallel_loop3A_136] {strides = array<i32>} : memref<512x64xf32, #tpu.memory_space<vmem>>, vector<1x16xf32>,
      %parallel_loop3A_138 = vector.shape_cast %parallel_loop3A_137 : vector<1x16xf32> to vector<16xf32>
      %parallel_loop3A_139 = vector.shape_cast %parallel_loop3A_134 : vector<16xf32> to vector<1x16xf32>
      tpu.vector_store %arg11[%parallel_loop3A_135, %parallel_loop3A_136], %parallel_loop3A_139 {strides = array<i32>} : memref<512x64xf32, #tpu.memory_space<vmem>>, vector<1x16xf32>,
      %parallel_loop3A_140 = arith.index_cast %parallel_loop3A_123 : i32 to index
      %parallel_loop3A_141 = arith.constant 16 : index
      %parallel_loop3A_142 = tpu.vector_load %arg11[%parallel_loop3A_140, %parallel_loop3A_141] {strides = array<i32>} : memref<512x64xf32, #tpu.memory_space<vmem>>, vector<1x16xf32>,
      %parallel_loop3A_143 = vector.shape_cast %parallel_loop3A_142 : vector<1x16xf32> to vector<16xf32>
      %parallel_loop3A_144 = math.exp %parallel_loop3A_143 : vector<16xf32>
      %parallel_loop3A_145 = arith.constant 1.000000e-03 : f32
      %parallel_loop3A_146 = vector.broadcast %parallel_loop3A_145 : f32 to vector<16xf32>
      %parallel_loop3A_147 = arith.addf %parallel_loop3A_144, %parallel_loop3A_146 : vector<16xf32>
      %parallel_loop3A_148 = arith.constant 1.000000e+00 : f32
      %parallel_loop3A_149 = vector.broadcast %parallel_loop3A_148 : f32 to vector<16xf32>
      %parallel_loop3A_150 = arith.divf %parallel_loop3A_149, %parallel_loop3A_147 : vector<16xf32>
      %parallel_loop3A_151 = arith.index_cast %parallel_loop3A_123 : i32 to index
      %parallel_loop3A_152 = arith.constant 16 : index
      %parallel_loop3A_153 = tpu.vector_load %arg11[%parallel_loop3A_151, %parallel_loop3A_152] {strides = array<i32>} : memref<512x64xf32, #tpu.memory_space<vmem>>, vector<1x16xf32>,
      %parallel_loop3A_154 = vector.shape_cast %parallel_loop3A_153 : vector<1x16xf32> to vector<16xf32>
      %parallel_loop3A_155 = vector.shape_cast %parallel_loop3A_150 : vector<16xf32> to vector<1x16xf32>
      tpu.vector_store %arg11[%parallel_loop3A_151, %parallel_loop3A_152], %parallel_loop3A_155 {strides = array<i32>} : memref<512x64xf32, #tpu.memory_space<vmem>>, vector<1x16xf32>,
      %parallel_loop3A_156 = arith.index_cast %parallel_loop3A_123 : i32 to index
      %parallel_loop3A_157 = arith.constant 32 : index
      %parallel_loop3A_158 = tpu.vector_load %arg11[%parallel_loop3A_156, %parallel_loop3A_157] {strides = array<i32>} : memref<512x64xf32, #tpu.memory_space<vmem>>, vector<1x16xf32>,
      %parallel_loop3A_159 = vector.shape_cast %parallel_loop3A_158 : vector<1x16xf32> to vector<16xf32>
      %parallel_loop3A_160 = math.exp %parallel_loop3A_159 : vector<16xf32>
      %parallel_loop3A_161 = arith.constant 1.000000e-03 : f32
      %parallel_loop3A_162 = vector.broadcast %parallel_loop3A_161 : f32 to vector<16xf32>
      %parallel_loop3A_163 = arith.addf %parallel_loop3A_160, %parallel_loop3A_162 : vector<16xf32>
      %parallel_loop3A_164 = arith.constant 1.000000e+00 : f32
      %parallel_loop3A_165 = vector.broadcast %parallel_loop3A_164 : f32 to vector<16xf32>
      %parallel_loop3A_166 = arith.divf %parallel_loop3A_165, %parallel_loop3A_163 : vector<16xf32>
      %parallel_loop3A_167 = arith.index_cast %parallel_loop3A_123 : i32 to index
      %parallel_loop3A_168 = arith.constant 32 : index
      %parallel_loop3A_169 = tpu.vector_load %arg11[%parallel_loop3A_167, %parallel_loop3A_168] {strides = array<i32>} : memref<512x64xf32, #tpu.memory_space<vmem>>, vector<1x16xf32>,
      %parallel_loop3A_170 = vector.shape_cast %parallel_loop3A_169 : vector<1x16xf32> to vector<16xf32>
      %parallel_loop3A_171 = vector.shape_cast %parallel_loop3A_166 : vector<16xf32> to vector<1x16xf32>
      tpu.vector_store %arg11[%parallel_loop3A_167, %parallel_loop3A_168], %parallel_loop3A_171 {strides = array<i32>} : memref<512x64xf32, #tpu.memory_space<vmem>>, vector<1x16xf32>,
      %parallel_loop3A_172 = arith.index_cast %parallel_loop3A_123 : i32 to index
      %parallel_loop3A_173 = arith.constant 48 : index
      %parallel_loop3A_174 = tpu.vector_load %arg11[%parallel_loop3A_172, %parallel_loop3A_173] {strides = array<i32>} : memref<512x64xf32, #tpu.memory_space<vmem>>, vector<1x16xf32>,
      %parallel_loop3A_175 = vector.shape_cast %parallel_loop3A_174 : vector<1x16xf32> to vector<16xf32>
      %parallel_loop3A_176 = math.exp %parallel_loop3A_175 : vector<16xf32>
      %parallel_loop3A_177 = arith.constant 1.000000e-03 : f32
      %parallel_loop3A_178 = vector.broadcast %parallel_loop3A_177 : f32 to vector<16xf32>
      %parallel_loop3A_179 = arith.addf %parallel_loop3A_176, %parallel_loop3A_178 : vector<16xf32>
      %parallel_loop3A_180 = arith.constant 1.000000e+00 : f32
      %parallel_loop3A_181 = vector.broadcast %parallel_loop3A_180 : f32 to vector<16xf32>
      %parallel_loop3A_182 = arith.divf %parallel_loop3A_181, %parallel_loop3A_179 : vector<16xf32>
      %parallel_loop3A_183 = arith.index_cast %parallel_loop3A_123 : i32 to index
      %parallel_loop3A_184 = arith.constant 48 : index
      %parallel_loop3A_185 = tpu.vector_load %arg11[%parallel_loop3A_183, %parallel_loop3A_184] {strides = array<i32>} : memref<512x64xf32, #tpu.memory_space<vmem>>, vector<1x16xf32>,
      %parallel_loop3A_186 = vector.shape_cast %parallel_loop3A_185 : vector<1x16xf32> to vector<16xf32>
      %parallel_loop3A_187 = vector.shape_cast %parallel_loop3A_182 : vector<16xf32> to vector<1x16xf32>
      tpu.vector_store %arg11[%parallel_loop3A_183, %parallel_loop3A_184], %parallel_loop3A_187 {strides = array<i32>} : memref<512x64xf32, #tpu.memory_space<vmem>>, vector<1x16xf32>,
    } {sc.loop_unroll_factor = 1 : i64, sc.parallel_access}
    %dma_start3A_111 = arith.constant 64 : i32
    %dma_start3A_112 = tpu.memref_slice %arg5[%mul3A_2, %dma_start3A_111] : memref<16384x128xf32, #tpu.memory_space<hbm>> -> memref<512x64xf32, #tpu.memory_space<hbm>>
    %dma_start3A_113 = arith.constant 64 : i32
    %dma_start3A_114 = tpu.memref_slice %arg5[%mul3A_2, %dma_start3A_113] : memref<16384x128xf32, #tpu.memory_space<hbm>> -> memref<512x64xf32, #tpu.memory_space<hbm>>
    tpu.enqueue_dma source(%arg11 : memref<512x64xf32, #tpu.memory_space<vmem>>) target(%dma_start3A_114 : memref<512x64xf32, #tpu.memory_space<hbm>>) target_semaphore(%arg13 : memref<!tpu.dma_semaphore, #tpu.memory_space<semaphore_mem>>)
    %dma_wait3A_115 = arith.constant 0 : i32
    %dma_wait3A_116 = tpu.memref_slice %arg5[%mul3A_2, %dma_wait3A_115] : memref<16384x128xf32, #tpu.memory_space<hbm>> -> memref<512x64xf32, #tpu.memory_space<hbm>>
    %dma_wait3A_117 = arith.constant 0 : i32
    %dma_wait3A_118 = tpu.memref_slice %arg5[%mul3A_2, %dma_wait3A_117] : memref<16384x128xf32, #tpu.memory_space<hbm>> -> memref<512x64xf32, #tpu.memory_space<hbm>>
    tpu.wait_dma2 semaphore(%arg13 : memref<!tpu.dma_semaphore, #tpu.memory_space<semaphore_mem>>) src(%arg10 : memref<512x64xf32, #tpu.memory_space<vmem>>) dst(%dma_wait3A_118 : memref<512x64xf32, #tpu.memory_space<hbm>>)
    %dma_wait3A_119 = arith.constant 64 : i32
    %dma_wait3A_120 = tpu.memref_slice %arg5[%mul3A_2, %dma_wait3A_119] : memref<16384x128xf32, #tpu.memory_space<hbm>> -> memref<512x64xf32, #tpu.memory_space<hbm>>
    %dma_wait3A_121 = arith.constant 64 : i32
    %dma_wait3A_122 = tpu.memref_slice %arg5[%mul3A_2, %dma_wait3A_121] : memref<16384x128xf32, #tpu.memory_space<hbm>> -> memref<512x64xf32, #tpu.memory_space<hbm>>
    tpu.wait_dma2 semaphore(%arg13 : memref<!tpu.dma_semaphore, #tpu.memory_space<semaphore_mem>>) src(%arg11 : memref<512x64xf32, #tpu.memory_space<vmem>>) dst(%dma_wait3A_122 : memref<512x64xf32, #tpu.memory_space<hbm>>)
    return
  }
}

module attributes {stable_mosaic.version = 14 : i64} {
  func.func @_norm_body(%arg0: i32, %arg1: memref<50x64x512xf32, #tpu.memory_space<vmem>>, %arg2: memref<512x128xf32, #tpu.memory_space<vmem>>, %arg3: memref<50x64x512xf32, #tpu.memory_space<vmem>>) attributes {dimension_semantics = [#tpu.dimension_semantics<arbitrary>], iteration_bounds = array<i64: 32>, scalar_prefetch = 0 : i64, scratch_operands = 0 : i64, tpu.core_type = #tpu.core_type<tc>, window_params = [{transform_indices = @transform_0, window_bounds = array<i64: 50, 64, 512>}, {transform_indices = @transform_1, window_bounds = array<i64: 512, 128>}, {transform_indices = @transform_2, window_bounds = array<i64: 50, 64, 512>}]} {
    %get3A = arith.constant 0 : index
    %get3A_0 = arith.constant 0 : index
    %get3A_1 = vector.load %arg2[%get3A, %get3A_0] : memref<512x128xf32, #tpu.memory_space<vmem>>, vector<512x128xf32>
    %slice3A = vector.extract_strided_slice %get3A_1 {offsets = [0, 0], sizes = [512, 64], strides = [1, 1]} : vector<512x128xf32> to vector<512x64xf32>
    %transpose3A = tpu.transpose %slice3A, [1, 0] : vector<512x64xf32> -> vector<64x512xf32>
    %broadcast_in_dim3A = vector.shape_cast %transpose3A : vector<64x512xf32> to vector<1x64x512xf32>
    %slice3A_2 = vector.extract_strided_slice %get3A_1 {offsets = [0, 64], sizes = [512, 64], strides = [1, 1]} : vector<512x128xf32> to vector<512x64xf32>
    %transpose3A_3 = tpu.transpose %slice3A_2, [1, 0] : vector<512x64xf32> -> vector<64x512xf32>
    %broadcast_in_dim3A_4 = vector.shape_cast %transpose3A_3 : vector<64x512xf32> to vector<1x64x512xf32>
    %get3A_5 = arith.constant 0 : index
    %get3A_6 = arith.constant 0 : index
    %get3A_7 = arith.constant 0 : index
    %get3A_8 = vector.load %arg1[%get3A_5, %get3A_6, %get3A_7] : memref<50x64x512xf32, #tpu.memory_space<vmem>>, vector<50x64x512xf32>
    %sub3A = vector.broadcast %broadcast_in_dim3A : vector<1x64x512xf32> to vector<50x64x512xf32>
    %sub3A_9 = arith.subf %get3A_8, %sub3A : vector<50x64x512xf32>
    %mul3A = vector.broadcast %broadcast_in_dim3A_4 : vector<1x64x512xf32> to vector<50x64x512xf32>
    %mul3A_10 = arith.mulf %sub3A_9, %mul3A : vector<50x64x512xf32>
    %swap3A = arith.constant 0 : index
    %swap3A_11 = arith.constant 0 : index
    %swap3A_12 = arith.constant 0 : index
    %swap3A_13 = vector.load %arg3[%swap3A, %swap3A_11, %swap3A_12] : memref<50x64x512xf32, #tpu.memory_space<vmem>>, vector<50x64x512xf32>
    tpu.vector_store %arg3[%swap3A, %swap3A_11, %swap3A_12], %mul3A_10 {strides = array<i32>} : memref<50x64x512xf32, #tpu.memory_space<vmem>>, vector<50x64x512xf32>,
    return
  }
  func.func @transform_0(%arg0: i32) -> (i32, i32, i32) {
    %c0_i32 = arith.constant 0 : i32
    %c0_i32_0 = arith.constant 0 : i32
    %c0_i32_1 = arith.constant 0 : i32
    return %c0_i32, %c0_i32_0, %arg0 : i32, i32, i32
  }
  func.func @transform_1(%arg0: i32) -> (i32, i32) {
    %c0_i32 = arith.constant 0 : i32
    %c0_i32_0 = arith.constant 0 : i32
    return %arg0, %c0_i32 : i32, i32
  }
  func.func @transform_2(%arg0: i32) -> (i32, i32, i32) {
    %c0_i32 = arith.constant 0 : i32
    %c0_i32_0 = arith.constant 0 : i32
    %c0_i32_1 = arith.constant 0 : i32
    return %c0_i32, %c0_i32_0, %arg0 : i32, i32, i32
  }
}

</mosaic_0001>

<sc_bundles>
// kernel: kernel.4.cloned.1.call-start
scs
__scs_entry_jumppad:
0x0: {  	(pc) =	sbr.rel $0x88, $3  }
0x1: {  	(tag) =	ssettag $0x0;
	lr =	simm.s32 $0x1  }
0x2: {  	[smem:$0x3F9D] =	sst lr;
	_ =	strace $0xD0000000  }
0x3: {  	_ = 	snop  }
0x4: {  	_ = 	snop  }
0x5: {  	_ = 	snop  }
0x6: {  	_ = 	snop  }
0x7: {  	_ = 	snop  }
__scs_overlays_trampoline_lowered:
0x8: {  	[smem:$0x3FAC] =	sst s0  }
0x9: {  	[smem:$0x3FAD] =	sst s1  }
0xa: {  	[smem:$0x3FAE] =	sst s2  }
0xb: {  	[smem:$0x3FAF] =	sst s3  }
0xc: {  	[smem:$0x3FB0] =	sst s4  }
0xd: {  	[smem:$0x3FB1] =	sst s5  }
0xe: {  	[smem:$0x3FB2] =	sst s6  }
0xf: {  	[smem:$0x3FB3] =	sst s7  }
0x10: {  	[smem:$0x3FB4] =	sst s8  }
0x11: {  	[smem:$0x3FB5] =	sst s9;
	s0 =	simm.s32 @!p0 $0x0  }
0x12: {  	s1 =	sld [smem:$0x3F9B];
	s0 =	simm.s32 @p0 $0x1  }
0x13: {  	[smem:$0x3FB6] =	sst s0;
	s0 =	simm.s32 @!p1 $0x0  }
0x14: {  	s2 =	sld [smem:$0x3F9A];
	s0 =	simm.s32 @p1 $0x1  }
0x15: {  	[smem:$0x3FB7] =	sst s0;
	s0 =	simm.s32 @!p2 $0x0  }
0x16: {  	s3 =	sld [smem:$0x3FDB];
	s0 =	simm.s32 @p2 $0x1  }
0x17: {  	s4 =	simm.s32 $0x1BF5;
	[smem:$0x3FB9] =	sst s0  }
0x18: {  	s0 =	sld [smem:$0x3F9C];
	_ =	swait.ge [sflag:s4], $0x0  }
0x19: {  	s7 =	sld [smem:$0x3F9D]  }
0x1a: {  	s8 =	sadd.s32 $0xFFFFE003, lr  }
0x1b: {  	s9 =	sadd.s32 $0xFFFFFEF7, lr;
	s5 =	simm.s32 $0xFFFFFFFF;
	p2 =	slt.u32 s8, $0xFFFFF086  }
0x1c: {  	p1 =	slt.u32 s9, $0xF7A;
	s5 =	simm.s32 @!p2 $0x0  }
0x1d: {  	s5 =	simm.s32 @p1 $0x1;
	p0 =	seq.s32 s7, s2  }
0x1e: {  	s7 =	smul.u32 @!p0 $0xF7A, s2;
	p2 =	seq.s32 @!p0 s5, $0x0  }
0x1f: {  	s9 =	smul.u32 $0xF7A, s1;
	s8 =	simm.s32 @!p0 $0x1BF5;
	p2 =	por !p2, p0  }
0x20: {  	[sflag:s8] =	ssyncset.s32 @!p0 $0xFFFFF086;
	s6 =	sadd.s32 @!p0 s3, s7;
	s7 =	simm.s32 @!p0 $0x108  }
0x21: {  	s3 =	sadd.s32 s3, s9;
	s6 =	sadd.s32 @!p0 $0x88, s6;
	s7 =	simm.s32 @p2 $0x1082  }
0x22: {  	[simem:s7], [sflag:s8] =	dma.local @!p0 [hbm:s6], $0xF7A  }
0x23: {  	s9 =	sor.u32 $0xD0000000, s2;
	s6 =	simm.s32 $0x108;
	_ =	swait.ge @!p0 [sflag:s8], $0x0  }
0x24: {  	s3 =	sadd.s32 $0x88, s3;
	s6 =	simm.s32 @!p1 $0x1082;
	[sflag:s4] =	ssyncset.s32 $0xFFFFF086  }
0x25: {  	[simem:s6], [sflag:s4] =	dma.local [hbm:s3], $0xF7A  }
0x26: {  	[smem:$0x3F9D] =	sst s1;
	(tag) =	ssettag s2;
	_ =	strace s9  }
0x27: {  	s1 =	sld [smem:$0x3FAD]  }
0x28: {  	s2 =	sld [smem:$0x3FAE]  }
0x29: {  	s4 =	sld [smem:$0x3FB0]  }
0x2a: {  	p0 =	seq.s32 s5, $0x0;
	s5 =	sld [smem:$0x3FB1]  }
0x2b: {  	s6 =	sld [smem:$0x3FB2]  }
0x2c: {  	s7 =	sld [smem:$0x3FB3]  }
0x2d: {  	s3 =	simm.s32 $0x108;
	s8 =	sld [smem:$0x3FB4]  }
0x2e: {  	s3 =	simm.s32 @!p0 $0x1082;
	s9 =	sld [smem:$0x3FB5]  }
0x2f: {  	lr =	sadd.s32 s0, s3;
	s0 =	sld [smem:$0x3FAC]  }
0x30: {  	s3 =	sld [smem:$0x3FAF]  }
0x31: {  	[smem:$0x3FB8] =	sst s10  }
0x32: {  	s10 =	sld [smem:$0x3FB6];
	_ =	sdelay $0x3  }
0x33: {  	p0 =	seq.s32 s10, $0x1;
	s10 =	sld [smem:$0x3FB8];
	_ =	sdelay $0x3  }
0x34: {  	[smem:$0x3FB8] =	sst s10  }
0x35: {  	s10 =	sld [smem:$0x3FB7];
	_ =	sdelay $0x3  }
0x36: {  	p1 =	seq.s32 s10, $0x1;
	s10 =	sld [smem:$0x3FB8];
	_ =	sdelay $0x3  }
0x37: {  	[smem:$0x3FB8] =	sst s10  }
0x38: {  	s10 =	sld [smem:$0x3FB9]  }
0x39: {  	_ = 	snop;
	(pc) =	sbr.ind lr, $3  }
0x3a: {  	_ = 	snop  }
0x3b: {  	_ = 	snop  }
0x3c: {  	p2 =	seq.s32 s10, $0x1;
	s10 =	sld [smem:$0x3FB8]  }
0x3d: {  	_ =	shalt  }
0x3e: {  	_ =	shalt  }
0x3f: {  	_ =	shalt  }
0x40: {  	_ =	shalt  }
0x41: {  	_ =	shalt  }
0x42: {  	_ =	shalt  }
0x43: {  	_ =	shalt  }
0x44: {  	_ =	shalt  }
0x45: {  	_ =	shalt  }
0x46: {  	_ =	shalt  }
0x47: {  	_ =	shalt  }
0x48: {  	_ =	shalt  }
0x49: {  	_ =	shalt  }
0x4a: {  	_ =	shalt  }
0x4b: {  	_ =	shalt  }
0x4c: {  	_ =	shalt  }
0x4d: {  	_ =	shalt  }
0x4e: {  	_ =	shalt  }
0x4f: {  	_ =	shalt  }
0x50: {  	_ =	shalt  }
0x51: {  	_ =	shalt  }
0x52: {  	_ =	shalt  }
0x53: {  	_ =	shalt  }
0x54: {  	_ =	shalt  }
0x55: {  	_ =	shalt  }
0x56: {  	_ =	shalt  }
0x57: {  	_ =	shalt  }
0x58: {  	_ =	shalt  }
0x59: {  	_ =	shalt  }
0x5a: {  	_ =	shalt  }
0x5b: {  	_ =	shalt  }
0x5c: {  	_ =	shalt  }
0x5d: {  	_ =	shalt  }
0x5e: {  	_ =	shalt  }
0x5f: {  	_ =	shalt  }
0x60: {  	_ =	shalt  }
0x61: {  	_ =	shalt  }
0x62: {  	_ =	shalt  }
0x63: {  	_ =	shalt  }
0x64: {  	_ =	shalt  }
0x65: {  	_ =	shalt  }
0x66: {  	_ =	shalt  }
0x67: {  	_ =	shalt  }
0x68: {  	_ =	shalt  }
0x69: {  	_ =	shalt  }
0x6a: {  	_ =	shalt  }
0x6b: {  	_ =	shalt  }
0x6c: {  	_ =	shalt  }
0x6d: {  	_ =	shalt  }
0x6e: {  	_ =	shalt  }
0x6f: {  	_ =	shalt  }
0x70: {  	_ =	shalt  }
0x71: {  	_ =	shalt  }
0x72: {  	_ =	shalt  }
0x73: {  	_ =	shalt  }
0x74: {  	_ =	shalt  }
0x75: {  	_ =	shalt  }
0x76: {  	_ =	shalt  }
0x77: {  	_ =	shalt  }
0x78: {  	_ =	shalt  }
0x79: {  	_ =	shalt  }
0x7a: {  	_ =	shalt  }
0x7b: {  	_ =	shalt  }
0x7c: {  	_ =	shalt  }
0x7d: {  	_ =	shalt  }
0x7e: {  	_ =	shalt  }
0x7f: {  	_ =	shalt  }
0x80: {  	_ =	shalt  }
0x81: {  	_ =	shalt  }
0x82: {  	_ =	shalt  }
0x83: {  	_ =	shalt  }
0x84: {  	_ =	shalt  }
0x85: {  	_ =	shalt  }
0x86: {  	_ =	shalt  }
0x87: {  	_ =	shalt  }
.Lfunc_end0:
.L_simem_size_0:
called_computation_lowered:
.L_overlay_start_0:
0x88: {  	s2 =	sld [smem:$0x3FD9]  }
0x89: {  	s3 =	sld [smem:$0x3FFE];
	_ =	sdelay $0x1  }
0x8a: {  	s1 =	srdreg.scid  }
0x8b: {  	s0 =	sand.u32 $0x1, s1  }
0x8c: {  	s17 =	sshll.u32 s0, $0xA;
	s2 =	sadd.s32 s3, s2  }
0x8d: {  	s2 =	sadd.s32 s2, s17  }
0x8e: {  	[smem:$0x3FC4] =	sst s2  }
0x8f: {  	_ = 	snop  }
0x90: {  	s2 =	sld [smem:$0x3FC8]  }
0x91: {  	s18 =	sld [smem:$0x3FD0];
	(tm) =	ssettm $0x1  }
0x92: {  	s4 =	sld [smem:$0x3FFB];
	_ =	sdelay $0x3  }
0x93: {  	_ =	strace s4  }
0x94: {  	s4 =	sld [smem:$0x3FFC];
	_ =	sdelay $0x3  }
0x95: {  	_ =	strace s4  }
0x96: {  	s4 =	sld [smem:$0x3FFD];
	_ =	sdelay $0x3  }
0x97: {  	_ =	strace s4  }
0x98: {  	_ =	strace $0x8FFFFFFF  }
0x99: {  	s19 =	sld [smem:$0x3FDB];
	_ =	sdelay $0x1  }
0x9a: {  	s5 =	simm.s32 $_scs_section_size  }
0x9b: {  	s6 =	simm.s32 $_size__tile_overlayer_lowered;
	s7 =	simm.s32 $_tile_overlayer_lowered  }
0x9c: {  	s22 =	simm.s32 $0x1BFF;
	s21 =	sshll.u32 s7, $0x1;
	s4 =	sadd.s32 s5, s19  }
0x9d: {  	s8 =	simm.s32 $0x0;
	s20 =	sshll.u32 s6, $0x1;
	s6 =	sadd.s32 s21, s4  }
0x9e: {  	[timem:s8], [sflag:s22] =	dma.local [hbm:s6], s20  }
0x9f: {  	_ =	swait.ge [sflag:s22], s20  }
0xa0: {  	s5 =	ssub.s32 $0x0, s20;
	[sflag:s22] =	ssyncset.done $0x0  }
0xa1: {  	[sflag:s22] =	ssyncadd.s32 s5;
	_ =	sdelay $0x1  }
0xa2: {  	s23 =	simm.s32 $0x1B8B  }
0xa3: {  	_ =	swait.ge [sflag:s23], $0x1  }
0xa4: {  	[sflag:s23] =	ssyncset.done $0x0  }
0xa5: {  	s25 =	simm.s32 $0x1B8E;
	s24 =	sld [smem:$0x3FFE];
	[sflag:s23] =	ssyncadd.s32 $0xFFFFFFFF  }
0xa6: {  	s26 =	simm.s32 $execute0_lowered;
	[smem:$0x3FD2] =	sst s25  }
0xa7: {  	s6 =	sshll.u32 s26, $0x1;
	_ =	strace $0x80000046;
	[dreg:$0x1] =	wrdreg $0xFFFFFFFF  }
0xa8: {  	s28 =	simm.s32 $_size_execute0_lowered;
	s4 =	sadd.s32 s4, s6;
	[dreg:$0x0] =	wrdreg $0x0  }
0xa9: {  	s6 =	sshll.u32 s28, $0x1;
	[dreg:$0x2] =	wrdreg s4  }
0xaa: {  	[dreg:$0x3] =	wrdreg s6  }
0xab: {  	[dreg:$0x4] =	wrdreg $0xC0  }
0xac: {  	_ =	task [dreg:s8], $0x5FFFF  }
0xad: {  	[dreg:$0x1] =	wrdreg $0xFFFFFFFF  }
0xae: {  	[dreg:$0x0] =	wrdreg $0x60  }
0xaf: {  	[dreg:$0x2] =	wrdreg s2  }
0xb0: {  	[dreg:$0x3] =	wrdreg s24  }
0xb1: {  	[dreg:$0x4] =	wrdreg s18  }
0xb2: {  	[dreg:$0x5] =	wrdreg $0x9  }
0xb3: {  	_ =	task.clear_ibuf [dreg:s8], $0x6FFFF;
	_ =	strace $0x90000046  }
0xb4: {  	s29 =	simm.s32 $0x9;
	_ =	strace $0x80000048  }
0xb5: {  	_ =	swait.ge [sflag:s29], $0x1  }
0xb6: {  	[sflag:s29] =	ssyncadd.s32 $0xFFFFFFFF  }
0xb7: {  	_ =	strace $0x90000048  }
0xb8: {  	_ =	sfence  }
0xb9: {  	s30 =	sld [smem:$0x0];
	_ =	sdelay $0x2  }
0xba: {  	s31 =	sshll.u32 s1, $0xD;
	s1 =	sshrl.u32 s1, $0x2  }
0xbb: {  	s3 =	sand.u32 $0x4000, s31;
	s1 =	sadd.s32 s1, s30  }
0xbc: {  	s0 =	sor.u32 s3, s0;
	s1 =	sshll.u32 s1, $0x11  }
0xbd: {  	s0 =	sor.u32 s1, s0  }
0xbe: {  	s0 =	sadd.s32 $0x8F2B, s0  }
0xbf: {  	[sflag:s0] =	ssyncadd.remote.s32 $0x1  }
0xc0: {  	_ =	sfence.sel $0xFFFF  }
0xc1: {  	[dreg:$0x0] =	wrdreg $0xFFFFFFFF;
	(pc) =	sbr.abs _section_cstart, $3  }
0xc2: {  	[dreg:$0x1] =	wrdreg $0xFFFFFFFF  }
0xc3: {  	_ =	task.clear_ibuf [dreg:s8], $0x2FFFF;
	_ =	strace $0x9FFFFFFF  }
0xc4: {  	(tm) =	ssettm $0x7FFFFFFF  }
0xc5: {  	_ =	shalt  }
tec
execute0_lowered:
.L_overlay_start_1:
0x0: {  	(tag) =	ssettag $0x1  }
0x1: {  	s0 =	rddreg [dreg:$0x0]  }
0x2: {  	s1 =	rddreg [dreg:$0x1]  }
0x3: {  	s9 =	rddreg [dreg:$0x2];
	s3 =	srdreg.scid;
	s2 =	simm.s32 $0x0  }
0x4: {  	s5 =	stileid.u32;
	s12 =	simm.s32 $0x3;
	s13 =	simm.s32 $0x80  }
0x5: {  	s14 =	simm.s32 $0x100;
	s15 =	simm.s32 $0x180;
	s16 =	simm.s32 $0x200  }
0x6: {  	s17 =	simm.s32 $0x8200;
	s19 =	simm.s32 $0xA200;
	s20 =	simm.s32 $0x4200  }
0x7: {  	s21 =	simm.s32 $0xC200;
	s22 =	simm.s32 $0x6200;
	s23 =	simm.s32 $0xE200  }
0x8: {  	s24 =	simm.s32 $0x1;
	s28 =	simm.s32 $0x0;
	s4 =	sand.u32 $0x1, s3  }
0x9: {  	[smem:$0x7FF] =	sst s2;
	s25 =	sshll.u32 s5, $0xA;
	s3 =	sadd.s32 $0x600, s1  }
0xa: {  	s26 =	sshll.u32 s4, $0x9;
	_ =	strace $0x80000047;
	s6 =	ssub.s32 $0x2, s4  }
0xb: {  	s4 =	sadd.s32 $0x2600, s1;
	s7 =	sor.u32 s26, s25;
	s29 =	sshrl.u32 s6, $0x1  }
0xc: {  	s25 =	simm.s32 $0x40;
	s26 =	simm.s32 $0x2;
	s5 =	sshrl.u32 s7, $0x3  }
0xd: {  	s30 =	ssub.s32 s6, s29;
	s31 =	sshll.u32 s7, $0x4;
	s5 =	sadd.s32 s0, s5  }
0xe: {  	s9 =	sadd.s32 s9, s31;
	s11 =	smax.u32 s30, $0x1;
	s6 =	sadd.s32 $0x10, s5  }
0xf: {  	s7 =	sadd.s32 $0x20, s5;
	s8 =	sadd.s32 $0x30, s5;
	s10 =	sadd.s32 $0x8, s9  }
.LBB2_1:
0x10: {  	[tilespmem:s2], [sflag:$0x3] =	stream.linear.gather [hbm4b:s5+s2], $0x80, $0x38;
	[tilespmem:$0x10200] =	vst v63  }
0x11: {  	_ =	swait.ge [sflag:s12], $0x80  }
0x12: {  	[sflag:s12] =	ssyncset.done $0x0  }
0x13: {  	[sflag:s12] =	ssyncadd.s32 $0xFFFFFF80  }
0x14: {  	[tilespmem:s13], [sflag:$0x3] =	stream.linear.gather [hbm4b:s6+s2], $0x80, $0x38;
	[tilespmem:$0x10200] =	vst v63  }
0x15: {  	_ =	swait.ge [sflag:s12], $0x80  }
0x16: {  	[sflag:s12] =	ssyncset.done $0x0  }
0x17: {  	[sflag:s12] =	ssyncadd.s32 $0xFFFFFF80  }
0x18: {  	[tilespmem:s14], [sflag:$0x3] =	stream.linear.gather [hbm4b:s7+s2], $0x80, $0x38;
	[tilespmem:$0x10200] =	vst v63  }
0x19: {  	_ =	swait.ge [sflag:s12], $0x80  }
0x1a: {  	[sflag:s12] =	ssyncset.done $0x0  }
0x1b: {  	[sflag:s12] =	ssyncadd.s32 $0xFFFFFF80  }
0x1c: {  	[tilespmem:s15], [sflag:$0x3] =	stream.linear.gather [hbm4b:s8+s2], $0x80, $0x38;
	[tilespmem:$0x10200] =	vst v63  }
0x1d: {  	_ =	swait.ge [sflag:s12], $0x80  }
0x1e: {  	[sflag:s12] =	ssyncset.done $0x0  }
0x1f: {  	[sflag:s12] =	ssyncadd.s32 $0xFFFFFF80  }
0x20: {  	[tilespmem:s16], [sflag:$0x1] =	stream.indirect.gather [hbm4b:s3+s13], $0x40, s2, s13, $0xb8;
	[tilespmem:$0x10200] =	vst v63  }
0x21: {  	_ = 	snop  }
0x22: {  	[tilespmem:s17], [sflag:$0x1] =	stream.indirect.gather [hbm4b:s4+s13], $0x40, s2, s13, $0xb8;
	[tilespmem:$0x10200] =	vst v63  }
0x23: {  	s0 =	simm.s32 $0x2200  }
0x24: {  	[tilespmem:s0], [sflag:$0x1] =	stream.indirect.gather [hbm4b:s3+s13], $0x40, s13, s13, $0xb8;
	[tilespmem:$0x10200] =	vst v63  }
0x25: {  	_ = 	snop  }
0x26: {  	[tilespmem:s19], [sflag:$0x1] =	stream.indirect.gather [hbm4b:s4+s13], $0x40, s13, s13, $0xb8;
	[tilespmem:$0x10200] =	vst v63  }
0x27: {  	_ = 	snop  }
0x28: {  	[tilespmem:s20], [sflag:$0x1] =	stream.indirect.gather [hbm4b:s3+s13], $0x40, s14, s13, $0xb8;
	[tilespmem:$0x10200] =	vst v63  }
0x29: {  	_ = 	snop  }
0x2a: {  	[tilespmem:s21], [sflag:$0x1] =	stream.indirect.gather [hbm4b:s4+s13], $0x40, s14, s13, $0xb8;
	[tilespmem:$0x10200] =	vst v63  }
0x2b: {  	_ = 	snop  }
0x2c: {  	[tilespmem:s22], [sflag:$0x1] =	stream.indirect.gather [hbm4b:s3+s13], $0x40, s15, s13, $0xb8;
	[tilespmem:$0x10200] =	vst v63  }
0x2d: {  	_ = 	snop  }
0x2e: {  	[tilespmem:s23], [sflag:$0x1] =	stream.indirect.gather [hbm4b:s4+s13], $0x40, s15, s13, $0xb8;
	[tilespmem:$0x10200] =	vst v63  }
0x2f: {  	_ =	swait.ge [sflag:s24], $0x2000  }
0x30: {  	[sflag:s24] =	ssyncset.done $0x0  }
0x31: {  	[sflag:s24] =	ssyncadd.s32 $0xFFFFE000  }
0x32: {  	_ =	swait.ge [sflag:s24], $0x2000  }
0x33: {  	[sflag:s24] =	ssyncset.done $0x0  }
0x34: {  	[sflag:s24] =	ssyncadd.s32 $0xFFFFE000  }
0x35: {  	_ =	swait.ge [sflag:s24], $0x2000  }
0x36: {  	[sflag:s24] =	ssyncset.done $0x0  }
0x37: {  	[sflag:s24] =	ssyncadd.s32 $0xFFFFE000  }
0x38: {  	_ =	swait.ge [sflag:s24], $0x2000  }
0x39: {  	[sflag:s24] =	ssyncset.done $0x0  }
0x3a: {  	[sflag:s24] =	ssyncadd.s32 $0xFFFFE000  }
0x3b: {  	_ =	swait.ge [sflag:s24], $0x2000  }
0x3c: {  	[sflag:s24] =	ssyncset.done $0x0  }
0x3d: {  	[sflag:s24] =	ssyncadd.s32 $0xFFFFE000  }
0x3e: {  	_ =	swait.ge [sflag:s24], $0x2000  }
0x3f: {  	[sflag:s24] =	ssyncset.done $0x0  }
0x40: {  	[sflag:s24] =	ssyncadd.s32 $0xFFFFE000  }
0x41: {  	_ =	swait.ge [sflag:s24], $0x2000  }
0x42: {  	[sflag:s24] =	ssyncset.done $0x0  }
0x43: {  	[sflag:s24] =	ssyncadd.s32 $0xFFFFE000  }
0x44: {  	_ =	swait.ge [sflag:s24], $0x2000  }
0x45: {  	[sflag:s24] =	ssyncset.done $0x0  }
0x46: {  	s30 =	simm.s32 $0x0;
	[sflag:s24] =	ssyncadd.s32 $0xFFFFE000  }
0x47: {  	[hbm4b:s9+s25] =	stream.strided.scatter [tilespmem:s16], [sflag:$0x2], $0x8000, s13, s25, $0x38;
	[tilespmem:$0x10200] =	vst v63  }
0x48: {  	v0 =	vld [tilespmem:s30+$0x8230]  }
0x49: {  	v1 =	vld [tilespmem:s30+$0x8200]  }
0x4a: {  	v2 =	vld [tilespmem:s30+$0x8210]  }
0x4b: {  	v3 =	vld [tilespmem:s30+$0x8220];
	_ =	sdelay $0x1  }
0x4c: {  	v0 =	vmul.f32 $1.442695020e+00, v0  }
0x4d: {  	s29 =	simm.s32 $0x40;
	v1 =	vmul.f32 $1.442695020e+00, v1  }
0x4e: {  	v2 =	vmul.f32 $1.442695020e+00, v2;
	(erf) = vpow2.f32 v0;
	v0 =	vld [tilespmem:s29+$0x8230]  }
0x4f: {  	v3 =	vmul.f32 $1.442695020e+00, v3;
	(erf) = vpow2.f32 v1;
	v1 =	vld [tilespmem:s29+$0x8200]  }
0x50: {  	(erf) = vpow2.f32 v2;
	v2 =	vld [tilespmem:s29+$0x8210]  }
0x51: {  	(erf) = vpow2.f32 v3;
	v3 =	vld [tilespmem:s29+$0x8220];
	_ =	sdelay $0x2  }
0x52: {  	v1 =	vmul.f32 $1.442695020e+00, v1  }
0x53: {  	v0 =	vmul.f32 $1.442695020e+00, v0;
	v2 =	vmul.f32 $1.442695020e+00, v2  }
0x54: {  	s31 =	simm.s32 $0x80;
	v3 =	vmul.f32 $1.442695020e+00, v3  }
0x55: {  	v4 =	vld [tilespmem:s31+$0x8200];
	(erf) = vpow2.f32 v0  }
0x56: {  	v0 =	vld [tilespmem:s31+$0x8230];
	(erf) = vpow2.f32 v1;
	v1 =	vpop (erf)  }
0x57: {  	v6 =	vld [tilespmem:s31+$0x8220];
	(erf) = vpow2.f32 v2;
	v1 =	vadd.f32 $1.000000050e-03, v1;
	v2 =	vpop (erf)  }
0x58: {  	v5 =	vld [tilespmem:s31+$0x8210];
	(erf) = vpow2.f32 v3;
	v2 =	vadd.f32 $1.000000050e-03, v2;
	v3 =	vpop (erf)  }
0x59: {  	v3 =	vadd.f32 $1.000000050e-03, v3;
	v7 =	vpop (erf);
	(erf) = vrcp.f32 v1  }
0x5a: {  	v1 =	vadd.f32 $1.000000050e-03, v7;
	(erf) = vrcp.f32 v2;
	v2 =	vmul.f32 $1.442695020e+00, v4  }
0x5b: {  	v0 =	vmul.f32 $1.442695020e+00, v0;
	(erf) = vrcp.f32 v3  }
0x5c: {  	v3 =	vmul.f32 $1.442695020e+00, v6;
	(erf) = vrcp.f32 v1  }
0x5d: {  	v1 =	vmul.f32 $1.442695020e+00, v5;
	(erf) = vpow2.f32 v0  }
0x5e: {  	s0 =	simm.s32 $0xC0;
	(erf) = vpow2.f32 v2;
	v2 =	vpop (erf)  }
0x5f: {  	v0 =	vld [tilespmem:s0+$0x8230];
	(erf) = vpow2.f32 v1;
	v1 =	vadd.f32 $1.000000050e-03, v2;
	v2 =	vpop (erf)  }
0x60: {  	(erf) = vpow2.f32 v3;
	v2 =	vadd.f32 $1.000000050e-03, v2;
	v3 =	vpop (erf)  }
0x61: {  	v3 =	vadd.f32 $1.000000050e-03, v3;
	v63 =	vpop (erf);
	(erf) = vrcp.f32 v1  }
0x62: {  	v4 =	vld [tilespmem:s0+$0x8200];
	v1 =	vadd.f32 $1.000000050e-03, v63;
	(erf) = vrcp.f32 v2  }
0x63: {  	v5 =	vld [tilespmem:s0+$0x8210];
	(erf) = vrcp.f32 v3  }
0x64: {  	v0 =	vmul.f32 $1.442695020e+00, v0;
	v2 =	vpop (erf);
	(erf) = vrcp.f32 v1;
	v1 =	vld [tilespmem:s0+$0x8220];
	_ =	sdelay $0x1  }
0x65: {  	[tilespmem:s30+$0x8230] =	vst v2;
	v3 =	vpop (erf)  }
0x66: {  	v2 =	vmul.f32 $1.442695020e+00, v4;
	(erf) = vpow2.f32 v0;
	[tilespmem:s30+$0x8200] =	vst v3;
	v4 =	vpop (erf)  }
0x67: {  	s1 =	simm.s32 $0x100;
	s18 =	simm.s32 $0x500;
	v3 =	vmul.f32 $1.442695020e+00, v5;
	[tilespmem:s30+$0x8210] =	vst v4;
	v0 =	vpop (erf)  }
.LBB2_2:
0x68: {  	p0 =	sne.s32 s18, $0x1FF00;
	v4 =	vld [tilespmem:s1+$0x8230];
	v1 =	vmul.f32 $1.442695020e+00, v1;
	(erf) = vpow2.f32 v2;
	v2 =	vpop (erf);
	[tilespmem:s30+$0x8220] =	vst v0;
	s30 =	smov.u32 s29;
	s29 =	smov.u32 s31  }
0x69: {  	s31 =	smov.u32 s0;
	s0 =	smov.u32 s1;
	v0 =	vld [tilespmem:s1+$0x8200];
	(erf) = vpow2.f32 v3;
	v8 =	vadd.f32 $1.000000050e-03, v2;
	v3 =	vpop (erf)  }
0x6a: {  	v5 =	vld [tilespmem:s0+$0x8210];
	(erf) = vpow2.f32 v1;
	v9 =	vadd.f32 $1.000000050e-03, v3;
	v6 =	vpop (erf)  }
.Ltmp0:
0x6b: {  	v1 =	vld [tilespmem:s0+$0x8220];
	v6 =	vadd.f32 $1.000000050e-03, v6;
	v7 =	vpop (erf);
	(erf) = vrcp.f32 v8;
	(pc) =	sbr.rel @p0 .LBB2_2-.Ltmp0, $4  }
0x6c: {  	v7 =	vadd.f32 $1.000000050e-03, v7;
	(erf) = vrcp.f32 v9;
	v2 =	vpop (erf)  }
0x6d: {  	v4 =	vmul.f32 $1.442695020e+00, v4;
	(erf) = vrcp.f32 v6;
	[tilespmem:s30+$0x8230] =	vst v2;
	v3 =	vpop (erf)  }
0x6e: {  	v2 =	vmul.f32 $1.442695020e+00, v0;
	(erf) = vrcp.f32 v7;
	[tilespmem:s30+$0x8200] =	vst v3;
	v0 =	vpop (erf)  }
0x6f: {  	s1 =	sshra.s32 s18, $0x2;
	s18 =	sadd.s32 $0x100, s18;
	v3 =	vmul.f32 $1.442695020e+00, v5;
	(erf) = vpow2.f32 v4;
	[tilespmem:s30+$0x8210] =	vst v0;
	v0 =	vpop (erf)  }
0x70: {  	v4 =	vld [tilespmem:s1+$0x8230];
	v1 =	vmul.f32 $1.442695020e+00, v1;
	(erf) = vpow2.f32 v2;
	v34 =	vpop (erf)  }
0x71: {  	v5 =	vld [tilespmem:s1+$0x8200];
	(erf) = vpow2.f32 v3;
	v2 =	vadd.f32 $1.000000050e-03, v34;
	v35 =	vpop (erf)  }
0x72: {  	v6 =	vld [tilespmem:s1+$0x8210];
	(erf) = vpow2.f32 v1;
	v36 =	vadd.f32 $1.000000050e-03, v35;
	v37 =	vpop (erf)  }
0x73: {  	v7 =	vld [tilespmem:s1+$0x8220];
	v3 =	vadd.f32 $1.000000050e-03, v37;
	v8 =	vpop (erf);
	(erf) = vrcp.f32 v2  }
0x74: {  	v38 =	vadd.f32 $1.000000050e-03, v8;
	(erf) = vrcp.f32 v36;
	v39 =	vpop (erf)  }
0x75: {  	v4 =	vmul.f32 $1.442695020e+00, v4;
	(erf) = vrcp.f32 v3;
	v40 =	vpop (erf)  }
0x76: {  	v5 =	vmul.f32 $1.442695020e+00, v5;
	(erf) = vrcp.f32 v38;
	v41 =	vpop (erf)  }
0x77: {  	v6 =	vmul.f32 $1.442695020e+00, v6;
	(erf) = vpow2.f32 v4;
	v42 =	vpop (erf)  }
0x78: {  	v7 =	vmul.f32 $1.442695020e+00, v7;
	(erf) = vpow2.f32 v5;
	v43 =	vpop (erf)  }
0x79: {  	(erf) = vpow2.f32 v6;
	v44 =	vpop (erf)  }
0x7a: {  	(erf) = vpow2.f32 v7;
	v45 =	vpop (erf)  }
0x7b: {  	v46 =	vpop (erf)  }
0x7c: {  	v9 =	vpop (erf)  }
0x7d: {  	v5 =	vadd.f32 $1.000000050e-03, v43;
	v10 =	vpop (erf)  }
0x7e: {  	v6 =	vadd.f32 $1.000000050e-03, v44;
	v11 =	vpop (erf)  }
0x7f: {  	v7 =	vadd.f32 $1.000000050e-03, v45;
	(erf) = vrcp.f32 v5;
	v47 =	vpop (erf)  }
0x80: {  	[tilespmem:s30+$0x8220] =	vst v0;
	v48 =	vadd.f32 $1.000000050e-03, v46;
	(erf) = vrcp.f32 v6;
	v49 =	vpop (erf)  }
0x81: {  	[tilespmem:s29+$0x8230] =	vst v39;
	(erf) = vrcp.f32 v7;
	v50 =	vadd.f32 $1.000000050e-03, v49;
	v51 =	vpop (erf)  }
0x82: {  	[tilespmem:s29+$0x8200] =	vst v40;
	(erf) = vrcp.f32 v48;
	v52 =	vadd.f32 $1.000000050e-03, v51;
	v53 =	vpop (erf)  }
0x83: {  	[tilespmem:s29+$0x8210] =	vst v41;
	v54 =	vadd.f32 $1.000000050e-03, v53;
	(erf) = vrcp.f32 v50;
	v55 =	vpop (erf)  }
0x84: {  	[tilespmem:s29+$0x8220] =	vst v42;
	v1 =	vadd.f32 $1.000000050e-03, v55;
	(erf) = vrcp.f32 v52  }
0x85: {  	[tilespmem:s31+$0x8230] =	vst v9;
	(erf) = vrcp.f32 v54  }
0x86: {  	[tilespmem:s31+$0x8200] =	vst v10;
	(erf) = vrcp.f32 v1  }
0x87: {  	[tilespmem:s31+$0x8210] =	vst v11  }
0x88: {  	[tilespmem:s31+$0x8220] =	vst v47;
	v56 =	vpop (erf)  }
0x89: {  	[tilespmem:s0+$0x8230] =	vst v56;
	v57 =	vpop (erf)  }
0x8a: {  	[tilespmem:s0+$0x8200] =	vst v57;
	v58 =	vpop (erf)  }
0x8b: {  	[tilespmem:s0+$0x8210] =	vst v58;
	v59 =	vpop (erf)  }
0x8c: {  	[tilespmem:s0+$0x8220] =	vst v59;
	v60 =	vpop (erf)  }
0x8d: {  	[tilespmem:s1+$0x8230] =	vst v60;
	v61 =	vpop (erf)  }
0x8e: {  	[tilespmem:s1+$0x8200] =	vst v61;
	v62 =	vpop (erf)  }
0x8f: {  	[tilespmem:s1+$0x8210] =	vst v62;
	v63 =	vpop (erf)  }
0x90: {  	s28 =	sadd.s32 $0x1, s28;
	[tilespmem:s1+$0x8220] =	vst v63  }
0x91: {  	[hbm4b:s10+s25] =	stream.strided.scatter [tilespmem:s17], [sflag:$0x2], $0x8000, s13, s25, $0x38;
	[tilespmem:$0x10200] =	vst v63  }
0x92: {  	p0 =	sne.s32 s28, s11;
	_ =	swait.ge [sflag:s26], $0x8000  }
.Ltmp1:
0x93: {  	[sflag:s26] =	ssyncset.done $0x0;
	(pc) =	sbr.rel @p0 .LBB2_1-.Ltmp1, $4  }
0x94: {  	[sflag:s26] =	ssyncadd.s32 $0xFFFF8000  }
0x95: {  	_ =	swait.ge [sflag:s26], $0x8000  }
0x96: {  	[sflag:s26] =	ssyncset.done $0x0  }
0x97: {  	[sflag:s26] =	ssyncadd.s32 $0xFFFF8000  }
0x98: {  	_ =	sfence.sel $0x180000  }
0x99: {  	[bflag:$0x0] =	sbarrier.arrive $0xFFFF  }
0x9a: {  	_ =	strace $0x90000047  }
0x9b: {  	s0 =	stileid.u32;
	[bflag:$0x2] =	sbarrier.arrive $0xFFFF  }
0x9c: {  	p0 =	sne.s32 s0, $0x0;
	s0 =	rddreg [dreg:$0x3]  }
0x9d: {  	s0 =	sadd.s32 @!p0 $0x100000, s0  }
0x9e: {  	[sflag:s0] =	ssyncadd.tile.s32 @!p0 $0x1;
	_ =	shalt  }
.Lfunc_end2:
_tile_overlayer_lowered:
.L_overlay_start_2:
0x9f: {  	(tag) =	ssettag $0x2  }
0xa0: {  	s0 =	rddreg [dreg:$0x0];
	s2 =	stileid.u32  }
0xa1: {  	s1 =	rddreg [dreg:$0x1];
	p0 =	sne.s32 s2, $0x0  }
0xa2: {  	s3 =	rddreg [dreg:$0x2];
	[bflag:$0x3] =	sbarrier.arrive $0xFFFF;
	s2 =	simm.s32 @!p0 $0x1C03  }
0xa3: {  	[timem:s3], [sflag:s2] =	dma.local @!p0 [hbm:s0], s1  }
0xa4: {  	s0 =	simm.s32 @!p0 $0x3  }
0xa5: {  	_ =	swait.ge @!p0 [sflag:s0], s1  }
0xa6: {  	s1 =	ssub.s32 @!p0 $0x0, s1;
	[sflag:s0] =	ssyncset.done @!p0 $0x0  }
0xa7: {  	[sflag:s0] =	ssyncadd.s32 @!p0 s1  }
0xa8: {  	[bflag:$0x3] =	sbarrier.arrive $0xFFFF  }
0xa9: {  	_ =	shalt  }

</sc_bundles>
